<compile_context>
chip_gen: v7x
topology: tpu7x:2x2x1
jax: 0.10.2.dev20260603
libtpu: 0.0.44.dev20260713+nightly
codegen_flags: <defaults>
</compile_context>

<pallas_src>
import functools

import jax
import jax.numpy as jnp
import numpy as np
from jax import lax
from jax.experimental import pallas as pl
from jax.experimental.pallas import tpu as pltpu
from jax.experimental.pallas import tpu_sc as plsc

_TURNOVER = 10.0
_NUM_GRAPHS = 256
_LANES = 16
_NW = 32


def _rsqrt_nr(x):
    i = plsc.bitcast(x, jnp.int32)
    i = np.int32(0x5F3759DF) - (i >> 1)
    y = plsc.bitcast(i, jnp.float32)
    for _ in range(3):
        y = y * (jnp.float32(1.5) - jnp.float32(0.5) * x * y * y)
    return y


def _sc_body(n_nodes, e_per_w, posx_h, posy_h, posz_h, src_h, dst_h, at_h,
             mid_h, rad_h, zero_h, out_h,
             posx_v, posy_v, posz_v, src_v, dst_v, at_v, mid_v, rad_v, acc_v):
    c = lax.axis_index("c")
    s = lax.axis_index("s")
    wid = s * np.int32(2) + c
    base = wid * np.int32(e_per_w)

    pltpu.sync_copy(posx_h, posx_v)
    pltpu.sync_copy(posy_h, posy_v)
    pltpu.sync_copy(posz_h, posz_v)
    pltpu.sync_copy(at_h, at_v)
    pltpu.sync_copy(mid_h, mid_v)
    pltpu.sync_copy(rad_h, rad_v)
    pltpu.sync_copy(zero_h, acc_v)
    pltpu.sync_copy(src_h.at[pl.ds(base, e_per_w)], src_v)
    pltpu.sync_copy(dst_h.at[pl.ds(base, e_per_w)], dst_v)

    lane = lax.iota(jnp.int32, _LANES)
    j0 = jnp.zeros((_LANES,), jnp.int32)
    j1 = jnp.ones((_LANES,), jnp.int32)

    def _edge_vec(i):
        off = i * np.int32(_LANES)
        si = src_v[pl.ds(off, _LANES)]
        ti = dst_v[pl.ds(off, _LANES)]
        dx = plsc.load_gather(posx_v, [si]) - plsc.load_gather(posx_v, [ti])
        dy = plsc.load_gather(posy_v, [si]) - plsc.load_gather(posy_v, [ti])
        dz = plsc.load_gather(posz_v, [si]) - plsc.load_gather(posz_v, [ti])
        d2 = dx * dx + dy * dy + dz * dz + jnp.float32(1e-12)
        dc2 = jnp.maximum(d2, jnp.float32(0.0025))
        inv_d = _rsqrt_nr(dc2)
        a_s = plsc.load_gather(at_v, [si])
        a_t = plsc.load_gather(at_v, [ti])
        rv = plsc.load_gather(rad_v, [a_s]) + plsc.load_gather(rad_v, [a_t])
        q = rv * inv_d
        q2 = q * q
        r6 = q2 * q2 * q2
        lj = r6 * r6 - jnp.float32(2.0) * r6
        d = dc2 * inv_d
        ov = jnp.maximum(rv - d, jnp.float32(0.0))
        nov = ov / rv
        g = plsc.load_gather(mid_v, [ti])
        plsc.addupdate_scatter(acc_v, [j0, lane, g], lj)
        plsc.addupdate_scatter(acc_v, [j1, lane, g], nov)
        return i + np.int32(1)

    n_vec = np.int32(e_per_w // _LANES)
    lax.while_loop(lambda i: i < n_vec, _edge_vec, np.int32(0))

    row = wid * np.int32(_LANES)
    z = np.int32(0)
    o = np.int32(1)
    pltpu.sync_copy(acc_v.at[z], out_h.at[z, pl.ds(row, _LANES)])
    pltpu.sync_copy(acc_v.at[o], out_h.at[o, pl.ds(row, _LANES)])


def _tc_epilogue(p_ref, pot_ref, loss_ref, nov_ref):
    pot = jnp.sum(p_ref[0], axis=0, keepdims=True)
    nov = jnp.sum(p_ref[1], axis=0, keepdims=True)
    t = jnp.float32(_TURNOVER)
    safe = jnp.maximum(pot, t)
    loss = jnp.where(pot > t, t * (jnp.float32(1.0) + jnp.log(safe / t)), pot)
    pot_ref[...] = pot
    loss_ref[...] = loss
    nov_ref[...] = nov


def kernel(pos, edge_index, atom_types, mol_ids, vdw_radii):
    n_nodes = pos.shape[0]
    n_edges = edge_index.shape[1]
    e_per_w = n_edges // _NW

    pos32 = pos.astype(jnp.float32)
    posx = pos32[:, 0]
    posy = pos32[:, 1]
    posz = pos32[:, 2]
    src = edge_index[0].astype(jnp.int32)
    dst = edge_index[1].astype(jnp.int32)
    at = atom_types.astype(jnp.int32)
    mid = mol_ids.astype(jnp.int32)
    n_types = vdw_radii.shape[0]
    pad = (-n_types) % 128
    rad = jnp.pad(vdw_radii.astype(jnp.float32), (0, pad))
    zero = jnp.zeros((2, _LANES, _NUM_GRAPHS), jnp.float32)

    mesh = plsc.VectorSubcoreMesh(core_axis_name="c", subcore_axis_name="s")
    sc_call = pl.kernel(
        functools.partial(_sc_body, n_nodes, e_per_w),
        out_type=jax.ShapeDtypeStruct((2, _NW * _LANES, _NUM_GRAPHS),
                                      jnp.float32),
        mesh=mesh,
        scratch_types=[
            pltpu.VMEM((n_nodes,), jnp.float32),
            pltpu.VMEM((n_nodes,), jnp.float32),
            pltpu.VMEM((n_nodes,), jnp.float32),
            pltpu.VMEM((e_per_w,), jnp.int32),
            pltpu.VMEM((e_per_w,), jnp.int32),
            pltpu.VMEM((n_nodes,), jnp.int32),
            pltpu.VMEM((n_nodes,), jnp.int32),
            pltpu.VMEM((n_types + pad,), jnp.float32),
            pltpu.VMEM((2, _LANES, _NUM_GRAPHS), jnp.float32),
        ],
        compiler_params=pltpu.CompilerParams(needs_layout_passes=False),
    )
    partial_sums = sc_call(posx, posy, posz, src, dst, at, mid, rad, zero)

    pot, loss, nov = pl.pallas_call(
        _tc_epilogue,
        out_shape=(
            jax.ShapeDtypeStruct((1, _NUM_GRAPHS), jnp.float32),
            jax.ShapeDtypeStruct((1, _NUM_GRAPHS), jnp.float32),
            jax.ShapeDtypeStruct((1, _NUM_GRAPHS), jnp.float32),
        ),
    )(partial_sums)
    return (pot.reshape(_NUM_GRAPHS), loss.reshape(_NUM_GRAPHS),
            nov.reshape(_NUM_GRAPHS))

# --- scband reference (transcript-rebuilt; emitter-appended) ---
"""Pipeline reference for scband-crystal-analyzer-28836410425675 (READ-ONLY COPY).

The authoritative reference and input builder live on the scoring server;
editing this copy changes nothing except your own understanding.
"""

import jax
jax.config.update("jax_enable_x64", True)
import jax.numpy as jnp
import numpy as np

N_NODES = 10000
N_EDGES = 640000
N_TYPES = 100
NUM_GRAPHS = 256
TURNOVER = 10.0


def setup_inputs(seed: int = 0) -> dict:
    key = jax.random.key(seed)
    k1, k2, k3, k4, k5 = jax.random.split(key, 5)
    pos = jax.random.normal(k1, (N_NODES, 3), dtype=jnp.float32)
    edge_index = jax.random.randint(k2, (2, N_EDGES), 0, N_NODES, dtype=jnp.int64)
    atom_types = jax.random.randint(k3, (N_NODES,), 0, N_TYPES, dtype=jnp.int64)
    mol_ids = jnp.sort(jax.random.randint(k4, (N_NODES,), 0, NUM_GRAPHS, dtype=jnp.int64))
    vdw_radii = jax.random.uniform(k5, (N_TYPES,), dtype=jnp.float32)
    return {
        "pos": pos,
        "edge_index": edge_index,
        "atom_types": atom_types,
        "mol_ids": mol_ids,
        "vdw_radii": vdw_radii,
    }


def reference(pos, edge_index, atom_types, mol_ids, vdw_radii):
    # Core of score_crystal_batch: intermolecular distance dict + vdw_analysis
    src = edge_index[0]
    dst = edge_index[1]
    # pairwise intermolecular distances (get_intermolecular_dists_dict)
    diff = pos[src] - pos[dst]
    d = jnp.sqrt(jnp.sum(diff * diff, axis=1) + 1e-12)
    d = jnp.clip(d, 0.05, None)
    # per-edge vdW radii sums (gather from element-indexed radii table)
    rv = vdw_radii[atom_types[src]] + vdw_radii[atom_types[dst]]
    # Lennard-Jones 12-6 potential per intermolecular contact
    r6 = (rv / d) ** 6
    lj = r6 * r6 - 2.0 * r6
    # hard-sphere overlaps
    overlap = jax.nn.relu(rv - d)
    normed_overlap = overlap / rv
    # reduce per crystal graph (edge -> graph via mol id of dst atom)
    gid = mol_ids[dst]
    vdw_potential = jax.ops.segment_sum(lj, gid, num_segments=NUM_GRAPHS)
    molwise_overlap = jax.ops.segment_sum(overlap, gid, num_segments=NUM_GRAPHS)
    molwise_normed_overlap = jax.ops.segment_sum(normed_overlap, gid, num_segments=NUM_GRAPHS)
    # turnover-damped loss: linear below turnover_potential, logarithmic above
    safe_pot = jnp.maximum(vdw_potential, TURNOVER)
    vdw_loss = jnp.where(
        vdw_potential > TURNOVER,
        TURNOVER * (1.0 + jnp.log(safe_pot / TURNOVER)),
        vdw_potential,
    )
    del molwise_overlap
    return (vdw_potential, vdw_loss, molwise_normed_overlap)

if __name__ == "__main__":
    import jax
    _d = setup_inputs()
    print(jax.jit(kernel)(*tuple(_d.values())))

</pallas_src>

<mosaic_0001>
#map = affine_map<(d0, d1) -> (0)>
#map1 = affine_map<(d0, d1) -> (0, 0, 0)>
module attributes {stable_mosaic.version = 14 : i64} {
  func.func @_sc_body(%arg0: i32, %arg1: i32, %arg2: memref<10000xf32, #tpu.memory_space<hbm>>, %arg3: memref<10000xf32, #tpu.memory_space<hbm>>, %arg4: memref<10000xf32, #tpu.memory_space<hbm>>, %arg5: memref<640000xi32, #tpu.memory_space<hbm>>, %arg6: memref<640000xi32, #tpu.memory_space<hbm>>, %arg7: memref<10000xi32, #tpu.memory_space<hbm>>, %arg8: memref<10000xi32, #tpu.memory_space<hbm>>, %arg9: memref<128xf32, #tpu.memory_space<hbm>>, %arg10: memref<2x16x256xf32, #tpu.memory_space<hbm>>, %arg11: memref<2x512x256xf32, #tpu.memory_space<hbm>>, %arg12: memref<10000xf32, #tpu.memory_space<vmem>>, %arg13: memref<10000xf32, #tpu.memory_space<vmem>>, %arg14: memref<10000xf32, #tpu.memory_space<vmem>>, %arg15: memref<20000xi32, #tpu.memory_space<vmem>>, %arg16: memref<20000xi32, #tpu.memory_space<vmem>>, %arg17: memref<10000xi32, #tpu.memory_space<vmem>>, %arg18: memref<10000xi32, #tpu.memory_space<vmem>>, %arg19: memref<128xf32, #tpu.memory_space<vmem>>, %arg20: memref<2x16x256xf32, #tpu.memory_space<vmem>>) attributes {dimension_semantics = [#tpu.dimension_semantics<core_parallel>, #tpu.dimension_semantics<subcore_parallel>], iteration_bounds = array<i64: 2, 16>, scalar_prefetch = 0 : i64, scratch_operands = 9 : i64, tpu.core_type = #tpu.core_type<sc_vector_subcore>, window_params = [{transform_indices = #map}, {transform_indices = #map}, {transform_indices = #map}, {transform_indices = #map}, {transform_indices = #map}, {transform_indices = #map}, {transform_indices = #map}, {transform_indices = #map}, {transform_indices = #map1}, {transform_indices = #map1}]} {
    %mul3A = arith.constant 2 : i32
    %mul3A_0 = arith.muli %arg1, %mul3A : i32
    %add3A = arith.addi %mul3A_0, %arg0 : i32
    %mul3A_1 = arith.constant 20000 : i32
    %mul3A_2 = arith.muli %add3A, %mul3A_1 : i32
    "tpu.region"() ({
      %run_scoped3A_12 = tpu.sem_alloc : memref<!tpu.dma_semaphore, #tpu.memory_space<semaphore_mem>>
      tpu.enqueue_dma source(%arg2 : memref<10000xf32, #tpu.memory_space<hbm>>) target(%arg12 : memref<10000xf32, #tpu.memory_space<vmem>>) target_semaphore(%run_scoped3A_12 : memref<!tpu.dma_semaphore, #tpu.memory_space<semaphore_mem>>)
      tpu.wait_dma2 semaphore(%run_scoped3A_12 : memref<!tpu.dma_semaphore, #tpu.memory_space<semaphore_mem>>) src(%arg2 : memref<10000xf32, #tpu.memory_space<hbm>>) dst(%arg12 : memref<10000xf32, #tpu.memory_space<vmem>>)
      tpu.yield
    }) : () -> ()
    "tpu.region"() ({
      %run_scoped3A_12 = tpu.sem_alloc : memref<!tpu.dma_semaphore, #tpu.memory_space<semaphore_mem>>
      tpu.enqueue_dma source(%arg3 : memref<10000xf32, #tpu.memory_space<hbm>>) target(%arg13 : memref<10000xf32, #tpu.memory_space<vmem>>) target_semaphore(%run_scoped3A_12 : memref<!tpu.dma_semaphore, #tpu.memory_space<semaphore_mem>>)
      tpu.wait_dma2 semaphore(%run_scoped3A_12 : memref<!tpu.dma_semaphore, #tpu.memory_space<semaphore_mem>>) src(%arg3 : memref<10000xf32, #tpu.memory_space<hbm>>) dst(%arg13 : memref<10000xf32, #tpu.memory_space<vmem>>)
      tpu.yield
    }) : () -> ()
    "tpu.region"() ({
      %run_scoped3A_12 = tpu.sem_alloc : memref<!tpu.dma_semaphore, #tpu.memory_space<semaphore_mem>>
      tpu.enqueue_dma source(%arg4 : memref<10000xf32, #tpu.memory_space<hbm>>) target(%arg14 : memref<10000xf32, #tpu.memory_space<vmem>>) target_semaphore(%run_scoped3A_12 : memref<!tpu.dma_semaphore, #tpu.memory_space<semaphore_mem>>)
      tpu.wait_dma2 semaphore(%run_scoped3A_12 : memref<!tpu.dma_semaphore, #tpu.memory_space<semaphore_mem>>) src(%arg4 : memref<10000xf32, #tpu.memory_space<hbm>>) dst(%arg14 : memref<10000xf32, #tpu.memory_space<vmem>>)
      tpu.yield
    }) : () -> ()
    "tpu.region"() ({
      %run_scoped3A_12 = tpu.sem_alloc : memref<!tpu.dma_semaphore, #tpu.memory_space<semaphore_mem>>
      tpu.enqueue_dma source(%arg7 : memref<10000xi32, #tpu.memory_space<hbm>>) target(%arg17 : memref<10000xi32, #tpu.memory_space<vmem>>) target_semaphore(%run_scoped3A_12 : memref<!tpu.dma_semaphore, #tpu.memory_space<semaphore_mem>>)
      tpu.wait_dma2 semaphore(%run_scoped3A_12 : memref<!tpu.dma_semaphore, #tpu.memory_space<semaphore_mem>>) src(%arg7 : memref<10000xi32, #tpu.memory_space<hbm>>) dst(%arg17 : memref<10000xi32, #tpu.memory_space<vmem>>)
      tpu.yield
    }) : () -> ()
    "tpu.region"() ({
      %run_scoped3A_12 = tpu.sem_alloc : memref<!tpu.dma_semaphore, #tpu.memory_space<semaphore_mem>>
      tpu.enqueue_dma source(%arg8 : memref<10000xi32, #tpu.memory_space<hbm>>) target(%arg18 : memref<10000xi32, #tpu.memory_space<vmem>>) target_semaphore(%run_scoped3A_12 : memref<!tpu.dma_semaphore, #tpu.memory_space<semaphore_mem>>)
      tpu.wait_dma2 semaphore(%run_scoped3A_12 : memref<!tpu.dma_semaphore, #tpu.memory_space<semaphore_mem>>) src(%arg8 : memref<10000xi32, #tpu.memory_space<hbm>>) dst(%arg18 : memref<10000xi32, #tpu.memory_space<vmem>>)
      tpu.yield
    }) : () -> ()
    "tpu.region"() ({
      %run_scoped3A_12 = tpu.sem_alloc : memref<!tpu.dma_semaphore, #tpu.memory_space<semaphore_mem>>
      tpu.enqueue_dma source(%arg9 : memref<128xf32, #tpu.memory_space<hbm>>) target(%arg19 : memref<128xf32, #tpu.memory_space<vmem>>) target_semaphore(%run_scoped3A_12 : memref<!tpu.dma_semaphore, #tpu.memory_space<semaphore_mem>>)
      tpu.wait_dma2 semaphore(%run_scoped3A_12 : memref<!tpu.dma_semaphore, #tpu.memory_space<semaphore_mem>>) src(%arg9 : memref<128xf32, #tpu.memory_space<hbm>>) dst(%arg19 : memref<128xf32, #tpu.memory_space<vmem>>)
      tpu.yield
    }) : () -> ()
    "tpu.region"() ({
      %run_scoped3A_12 = tpu.sem_alloc : memref<!tpu.dma_semaphore, #tpu.memory_space<semaphore_mem>>
      tpu.enqueue_dma source(%arg10 : memref<2x16x256xf32, #tpu.memory_space<hbm>>) target(%arg20 : memref<2x16x256xf32, #tpu.memory_space<vmem>>) target_semaphore(%run_scoped3A_12 : memref<!tpu.dma_semaphore, #tpu.memory_space<semaphore_mem>>)
      tpu.wait_dma2 semaphore(%run_scoped3A_12 : memref<!tpu.dma_semaphore, #tpu.memory_space<semaphore_mem>>) src(%arg10 : memref<2x16x256xf32, #tpu.memory_space<hbm>>) dst(%arg20 : memref<2x16x256xf32, #tpu.memory_space<vmem>>)
      tpu.yield
    }) : () -> ()
    "tpu.region"() ({
      %run_scoped3A_12 = tpu.sem_alloc : memref<!tpu.dma_semaphore, #tpu.memory_space<semaphore_mem>>
      %dma_start3A = tpu.memref_slice %arg5[%mul3A_2] : memref<640000xi32, #tpu.memory_space<hbm>> -> memref<20000xi32, #tpu.memory_space<hbm>>
      %dma_start3A_13 = tpu.memref_slice %arg5[%mul3A_2] : memref<640000xi32, #tpu.memory_space<hbm>> -> memref<20000xi32, #tpu.memory_space<hbm>>
      tpu.enqueue_dma source(%dma_start3A_13 : memref<20000xi32, #tpu.memory_space<hbm>>) target(%arg15 : memref<20000xi32, #tpu.memory_space<vmem>>) target_semaphore(%run_scoped3A_12 : memref<!tpu.dma_semaphore, #tpu.memory_space<semaphore_mem>>)
      %dma_wait3A = tpu.memref_slice %arg5[%mul3A_2] : memref<640000xi32, #tpu.memory_space<hbm>> -> memref<20000xi32, #tpu.memory_space<hbm>>
      %dma_wait3A_14 = tpu.memref_slice %arg5[%mul3A_2] : memref<640000xi32, #tpu.memory_space<hbm>> -> memref<20000xi32, #tpu.memory_space<hbm>>
      tpu.wait_dma2 semaphore(%run_scoped3A_12 : memref<!tpu.dma_semaphore, #tpu.memory_space<semaphore_mem>>) src(%dma_wait3A_14 : memref<20000xi32, #tpu.memory_space<hbm>>) dst(%arg15 : memref<20000xi32, #tpu.memory_space<vmem>>)
      tpu.yield
    }) : () -> ()
    "tpu.region"() ({
      %run_scoped3A_12 = tpu.sem_alloc : memref<!tpu.dma_semaphore, #tpu.memory_space<semaphore_mem>>
      %dma_start3A = tpu.memref_slice %arg6[%mul3A_2] : memref<640000xi32, #tpu.memory_space<hbm>> -> memref<20000xi32, #tpu.memory_space<hbm>>
      %dma_start3A_13 = tpu.memref_slice %arg6[%mul3A_2] : memref<640000xi32, #tpu.memory_space<hbm>> -> memref<20000xi32, #tpu.memory_space<hbm>>
      tpu.enqueue_dma source(%dma_start3A_13 : memref<20000xi32, #tpu.memory_space<hbm>>) target(%arg16 : memref<20000xi32, #tpu.memory_space<vmem>>) target_semaphore(%run_scoped3A_12 : memref<!tpu.dma_semaphore, #tpu.memory_space<semaphore_mem>>)
      %dma_wait3A = tpu.memref_slice %arg6[%mul3A_2] : memref<640000xi32, #tpu.memory_space<hbm>> -> memref<20000xi32, #tpu.memory_space<hbm>>
      %dma_wait3A_14 = tpu.memref_slice %arg6[%mul3A_2] : memref<640000xi32, #tpu.memory_space<hbm>> -> memref<20000xi32, #tpu.memory_space<hbm>>
      tpu.wait_dma2 semaphore(%run_scoped3A_12 : memref<!tpu.dma_semaphore, #tpu.memory_space<semaphore_mem>>) src(%dma_wait3A_14 : memref<20000xi32, #tpu.memory_space<hbm>>) dst(%arg16 : memref<20000xi32, #tpu.memory_space<vmem>>)
      tpu.yield
    }) : () -> ()
    %iota3A = tpu.iota {dimensions = array<i32: 0>} : vector<16xi32>
    %broadcast_in_dim3A = arith.constant 0 : i32
    %broadcast_in_dim3A_3 = vector.broadcast %broadcast_in_dim3A : i32 to vector<16xi32>
    %broadcast_in_dim3A_4 = arith.constant 1 : i32
    %broadcast_in_dim3A_5 = vector.broadcast %broadcast_in_dim3A_4 : i32 to vector<16xi32>
    %while3A = arith.constant 0 : i32
    %while3A_6 = scf.while (%while3A_12 = %while3A) : (i32) -> i32 {
      %lt3A = arith.constant 1250 : i32
      %lt3A_13 = arith.cmpi slt, %while3A_12, %lt3A : i32
      scf.condition(%lt3A_13) %while3A_12 : i32
    } do {
    ^bb0(%while3A_12: i32):
      %mul3A_13 = arith.constant 16 : i32
      %mul3A_14 = arith.muli %while3A_12, %mul3A_13 : i32
      %get3A = arith.index_cast %mul3A_14 : i32 to index
      %get3A_15 = tpu.vector_load %arg15[%get3A] {strides = array<i32>} : memref<20000xi32, #tpu.memory_space<vmem>>, vector<16xi32>,
      %get3A_16 = arith.index_cast %mul3A_14 : i32 to index
      %get3A_17 = tpu.vector_load %arg16[%get3A_16] {strides = array<i32>} : memref<20000xi32, #tpu.memory_space<vmem>>, vector<16xi32>,
      %gather3A = tpu.vector_load_idx %arg12[%get3A_15] : memref<10000xf32, #tpu.memory_space<vmem>>[vector<16xi32>], vector<16xf32>,
      %gather3A_18 = tpu.vector_load_idx %arg12[%get3A_17] : memref<10000xf32, #tpu.memory_space<vmem>>[vector<16xi32>], vector<16xf32>,
      %sub3A = arith.subf %gather3A, %gather3A_18 : vector<16xf32>
      %gather3A_19 = tpu.vector_load_idx %arg13[%get3A_15] : memref<10000xf32, #tpu.memory_space<vmem>>[vector<16xi32>], vector<16xf32>,
      %gather3A_20 = tpu.vector_load_idx %arg13[%get3A_17] : memref<10000xf32, #tpu.memory_space<vmem>>[vector<16xi32>], vector<16xf32>,
      %sub3A_21 = arith.subf %gather3A_19, %gather3A_20 : vector<16xf32>
      %gather3A_22 = tpu.vector_load_idx %arg14[%get3A_15] : memref<10000xf32, #tpu.memory_space<vmem>>[vector<16xi32>], vector<16xf32>,
      %gather3A_23 = tpu.vector_load_idx %arg14[%get3A_17] : memref<10000xf32, #tpu.memory_space<vmem>>[vector<16xi32>], vector<16xf32>,
      %sub3A_24 = arith.subf %gather3A_22, %gather3A_23 : vector<16xf32>
      %mul3A_25 = arith.mulf %sub3A, %sub3A : vector<16xf32>
      %mul3A_26 = arith.mulf %sub3A_21, %sub3A_21 : vector<16xf32>
      %add3A_27 = arith.addf %mul3A_25, %mul3A_26 : vector<16xf32>
      %mul3A_28 = arith.mulf %sub3A_24, %sub3A_24 : vector<16xf32>
      %add3A_29 = arith.addf %add3A_27, %mul3A_28 : vector<16xf32>
      %add3A_30 = arith.constant 9.99999996E-13 : f32
      %add3A_31 = vector.broadcast %add3A_30 : f32 to vector<16xf32>
      %add3A_32 = arith.addf %add3A_29, %add3A_31 : vector<16xf32>
      %max3A = arith.constant 2.500000e-03 : f32
      %max3A_33 = vector.broadcast %max3A : f32 to vector<16xf32>
      %max3A_34 = arith.maximumf %add3A_32, %max3A_33 : vector<16xf32>
      %bitcast3A = vector.bitcast %max3A_34 : vector<16xf32> to vector<16xi32>
      %shift_right_arithmetic3A = arith.constant 1 : i32
      %shift_right_arithmetic3A_35 = vector.broadcast %shift_right_arithmetic3A : i32 to vector<16xi32>
      %shift_right_arithmetic3A_36 = arith.shrsi %bitcast3A, %shift_right_arithmetic3A_35 : vector<16xi32>
      %sub3A_37 = arith.constant 1597463007 : i32
      %sub3A_38 = vector.broadcast %sub3A_37 : i32 to vector<16xi32>
      %sub3A_39 = arith.subi %sub3A_38, %shift_right_arithmetic3A_36 : vector<16xi32>
      %bitcast3A_40 = vector.bitcast %sub3A_39 : vector<16xi32> to vector<16xf32>
      %mul3A_41 = arith.constant 5.000000e-01 : f32
      %mul3A_42 = vector.broadcast %mul3A_41 : f32 to vector<16xf32>
      %mul3A_43 = arith.mulf %mul3A_42, %max3A_34 : vector<16xf32>
      %mul3A_44 = arith.mulf %mul3A_43, %bitcast3A_40 : vector<16xf32>
      %mul3A_45 = arith.mulf %mul3A_44, %bitcast3A_40 : vector<16xf32>
      %sub3A_46 = arith.constant 1.500000e+00 : f32
      %sub3A_47 = vector.broadcast %sub3A_46 : f32 to vector<16xf32>
      %sub3A_48 = arith.subf %sub3A_47, %mul3A_45 : vector<16xf32>
      %mul3A_49 = arith.mulf %bitcast3A_40, %sub3A_48 : vector<16xf32>
      %mul3A_50 = arith.constant 5.000000e-01 : f32
      %mul3A_51 = vector.broadcast %mul3A_50 : f32 to vector<16xf32>
      %mul3A_52 = arith.mulf %mul3A_51, %max3A_34 : vector<16xf32>
      %mul3A_53 = arith.mulf %mul3A_52, %mul3A_49 : vector<16xf32>
      %mul3A_54 = arith.mulf %mul3A_53, %mul3A_49 : vector<16xf32>
      %sub3A_55 = arith.constant 1.500000e+00 : f32
      %sub3A_56 = vector.broadcast %sub3A_55 : f32 to vector<16xf32>
      %sub3A_57 = arith.subf %sub3A_56, %mul3A_54 : vector<16xf32>
      %mul3A_58 = arith.mulf %mul3A_49, %sub3A_57 : vector<16xf32>
      %mul3A_59 = arith.constant 5.000000e-01 : f32
      %mul3A_60 = vector.broadcast %mul3A_59 : f32 to vector<16xf32>
      %mul3A_61 = arith.mulf %mul3A_60, %max3A_34 : vector<16xf32>
      %mul3A_62 = arith.mulf %mul3A_61, %mul3A_58 : vector<16xf32>
      %mul3A_63 = arith.mulf %mul3A_62, %mul3A_58 : vector<16xf32>
      %sub3A_64 = arith.constant 1.500000e+00 : f32
      %sub3A_65 = vector.broadcast %sub3A_64 : f32 to vector<16xf32>
      %sub3A_66 = arith.subf %sub3A_65, %mul3A_63 : vector<16xf32>
      %mul3A_67 = arith.mulf %mul3A_58, %sub3A_66 : vector<16xf32>
      %gather3A_68 = tpu.vector_load_idx %arg17[%get3A_15] : memref<10000xi32, #tpu.memory_space<vmem>>[vector<16xi32>], vector<16xi32>,
      %gather3A_69 = tpu.vector_load_idx %arg17[%get3A_17] : memref<10000xi32, #tpu.memory_space<vmem>>[vector<16xi32>], vector<16xi32>,
      %gather3A_70 = tpu.vector_load_idx %arg19[%gather3A_68] : memref<128xf32, #tpu.memory_space<vmem>>[vector<16xi32>], vector<16xf32>,
      %gather3A_71 = tpu.vector_load_idx %arg19[%gather3A_69] : memref<128xf32, #tpu.memory_space<vmem>>[vector<16xi32>], vector<16xf32>,
      %add3A_72 = arith.addf %gather3A_70, %gather3A_71 : vector<16xf32>
      %mul3A_73 = arith.mulf %add3A_72, %mul3A_67 : vector<16xf32>
      %mul3A_74 = arith.mulf %mul3A_73, %mul3A_73 : vector<16xf32>
      %mul3A_75 = arith.mulf %mul3A_74, %mul3A_74 : vector<16xf32>
      %mul3A_76 = arith.mulf %mul3A_75, %mul3A_74 : vector<16xf32>
      %mul3A_77 = arith.mulf %mul3A_76, %mul3A_76 : vector<16xf32>
      %mul3A_78 = arith.constant 2.000000e+00 : f32
      %mul3A_79 = vector.broadcast %mul3A_78 : f32 to vector<16xf32>
      %mul3A_80 = arith.mulf %mul3A_79, %mul3A_76 : vector<16xf32>
      %sub3A_81 = arith.subf %mul3A_77, %mul3A_80 : vector<16xf32>
      %mul3A_82 = arith.mulf %max3A_34, %mul3A_67 : vector<16xf32>
      %sub3A_83 = arith.subf %add3A_72, %mul3A_82 : vector<16xf32>
      %max3A_84 = arith.constant 0.000000e+00 : f32
      %max3A_85 = vector.broadcast %max3A_84 : f32 to vector<16xf32>
      %max3A_86 = arith.maximumf %sub3A_83, %max3A_85 : vector<16xf32>
      %div3A = arith.divf %max3A_86, %add3A_72 : vector<16xf32>
      %gather3A_87 = tpu.vector_load_idx %arg18[%get3A_17] : memref<10000xi32, #tpu.memory_space<vmem>>[vector<16xi32>], vector<16xi32>,
      tpu.vector_store_idx %arg20[%broadcast_in_dim3A_3, %iota3A, %gather3A_87], %sub3A_81 {add = true} : memref<2x16x256xf32, #tpu.memory_space<vmem>>[vector<16xi32>, vector<16xi32>, vector<16xi32>], vector<16xf32>,
      tpu.vector_store_idx %arg20[%broadcast_in_dim3A_5, %iota3A, %gather3A_87], %div3A {add = true} : memref<2x16x256xf32, #tpu.memory_space<vmem>>[vector<16xi32>, vector<16xi32>, vector<16xi32>], vector<16xf32>,
      %add3A_88 = arith.constant 1 : i32
      %add3A_89 = arith.addi %while3A_12, %add3A_88 : i32
      scf.yield %add3A_89 : i32
    }
    %mul3A_7 = arith.constant 16 : i32
    %mul3A_8 = arith.muli %add3A, %mul3A_7 : i32
    %run_scoped3A = arith.constant 0 : i32
    %run_scoped3A_9 = arith.constant 0 : i32
    "tpu.region"() ({
      %run_scoped3A_12 = tpu.sem_alloc : memref<!tpu.dma_semaphore, #tpu.memory_space<semaphore_mem>>
      %dma_start3A = arith.constant 0 : i32
      %dma_start3A_13 = arith.constant 0 : i32
      %dma_start3A_14 = tpu.memref_slice %arg20[%run_scoped3A, %dma_start3A, %dma_start3A_13] : memref<2x16x256xf32, #tpu.memory_space<vmem>> -> memref<1x16x256xf32, #tpu.memory_space<vmem>>
      %dma_start3A_15 = tpu.memref_squeeze %dma_start3A_14 : memref<1x16x256xf32, #tpu.memory_space<vmem>> -> memref<16x256xf32, #tpu.memory_space<vmem>>
      %dma_start3A_16 = arith.constant 0 : i32
      %dma_start3A_17 = tpu.memref_slice %arg11[%run_scoped3A_9, %mul3A_8, %dma_start3A_16] : memref<2x512x256xf32, #tpu.memory_space<hbm>> -> memref<1x16x256xf32, #tpu.memory_space<hbm>>
      %dma_start3A_18 = tpu.memref_squeeze %dma_start3A_17 : memref<1x16x256xf32, #tpu.memory_space<hbm>> -> memref<16x256xf32, #tpu.memory_space<hbm>>
      %dma_start3A_19 = arith.constant 0 : i32
      %dma_start3A_20 = tpu.memref_slice %arg11[%run_scoped3A_9, %mul3A_8, %dma_start3A_19] : memref<2x512x256xf32, #tpu.memory_space<hbm>> -> memref<1x16x256xf32, #tpu.memory_space<hbm>>
      %dma_start3A_21 = tpu.memref_squeeze %dma_start3A_20 : memref<1x16x256xf32, #tpu.memory_space<hbm>> -> memref<16x256xf32, #tpu.memory_space<hbm>>
      %dma_start3A_22 = arith.constant 0 : i32
      %dma_start3A_23 = arith.constant 0 : i32
      %dma_start3A_24 = tpu.memref_slice %arg20[%run_scoped3A, %dma_start3A_22, %dma_start3A_23] : memref<2x16x256xf32, #tpu.memory_space<vmem>> -> memref<1x16x256xf32, #tpu.memory_space<vmem>>
      %dma_start3A_25 = tpu.memref_squeeze %dma_start3A_24 : memref<1x16x256xf32, #tpu.memory_space<vmem>> -> memref<16x256xf32, #tpu.memory_space<vmem>>
      tpu.enqueue_dma source(%dma_start3A_25 : memref<16x256xf32, #tpu.memory_space<vmem>>) target(%dma_start3A_21 : memref<16x256xf32, #tpu.memory_space<hbm>>) target_semaphore(%run_scoped3A_12 : memref<!tpu.dma_semaphore, #tpu.memory_space<semaphore_mem>>)
      %dma_wait3A = arith.constant 0 : i32
      %dma_wait3A_26 = arith.constant 0 : i32
      %dma_wait3A_27 = tpu.memref_slice %arg20[%run_scoped3A, %dma_wait3A, %dma_wait3A_26] : memref<2x16x256xf32, #tpu.memory_space<vmem>> -> memref<1x16x256xf32, #tpu.memory_space<vmem>>
      %dma_wait3A_28 = tpu.memref_squeeze %dma_wait3A_27 : memref<1x16x256xf32, #tpu.memory_space<vmem>> -> memref<16x256xf32, #tpu.memory_space<vmem>>
      %dma_wait3A_29 = arith.constant 0 : i32
      %dma_wait3A_30 = tpu.memref_slice %arg11[%run_scoped3A_9, %mul3A_8, %dma_wait3A_29] : memref<2x512x256xf32, #tpu.memory_space<hbm>> -> memref<1x16x256xf32, #tpu.memory_space<hbm>>
      %dma_wait3A_31 = tpu.memref_squeeze %dma_wait3A_30 : memref<1x16x256xf32, #tpu.memory_space<hbm>> -> memref<16x256xf32, #tpu.memory_space<hbm>>
      %dma_wait3A_32 = arith.constant 0 : i32
      %dma_wait3A_33 = tpu.memref_slice %arg11[%run_scoped3A_9, %mul3A_8, %dma_wait3A_32] : memref<2x512x256xf32, #tpu.memory_space<hbm>> -> memref<1x16x256xf32, #tpu.memory_space<hbm>>
      %dma_wait3A_34 = tpu.memref_squeeze %dma_wait3A_33 : memref<1x16x256xf32, #tpu.memory_space<hbm>> -> memref<16x256xf32, #tpu.memory_space<hbm>>
      %dma_wait3A_35 = arith.constant 0 : i32
      %dma_wait3A_36 = arith.constant 0 : i32
      %dma_wait3A_37 = tpu.memref_slice %arg20[%run_scoped3A, %dma_wait3A_35, %dma_wait3A_36] : memref<2x16x256xf32, #tpu.memory_space<vmem>> -> memref<1x16x256xf32, #tpu.memory_space<vmem>>
      %dma_wait3A_38 = tpu.memref_squeeze %dma_wait3A_37 : memref<1x16x256xf32, #tpu.memory_space<vmem>> -> memref<16x256xf32, #tpu.memory_space<vmem>>
      tpu.wait_dma2 semaphore(%run_scoped3A_12 : memref<!tpu.dma_semaphore, #tpu.memory_space<semaphore_mem>>) src(%dma_wait3A_38 : memref<16x256xf32, #tpu.memory_space<vmem>>) dst(%dma_wait3A_34 : memref<16x256xf32, #tpu.memory_space<hbm>>)
      tpu.yield
    }) : () -> ()
    %run_scoped3A_10 = arith.constant 1 : i32
    %run_scoped3A_11 = arith.constant 1 : i32
    "tpu.region"() ({
      %run_scoped3A_12 = tpu.sem_alloc : memref<!tpu.dma_semaphore, #tpu.memory_space<semaphore_mem>>
      %dma_start3A = arith.constant 0 : i32
      %dma_start3A_13 = arith.constant 0 : i32
      %dma_start3A_14 = tpu.memref_slice %arg20[%run_scoped3A_10, %dma_start3A, %dma_start3A_13] : memref<2x16x256xf32, #tpu.memory_space<vmem>> -> memref<1x16x256xf32, #tpu.memory_space<vmem>>
      %dma_start3A_15 = tpu.memref_squeeze %dma_start3A_14 : memref<1x16x256xf32, #tpu.memory_space<vmem>> -> memref<16x256xf32, #tpu.memory_space<vmem>>
      %dma_start3A_16 = arith.constant 0 : i32
      %dma_start3A_17 = tpu.memref_slice %arg11[%run_scoped3A_11, %mul3A_8, %dma_start3A_16] : memref<2x512x256xf32, #tpu.memory_space<hbm>> -> memref<1x16x256xf32, #tpu.memory_space<hbm>>
      %dma_start3A_18 = tpu.memref_squeeze %dma_start3A_17 : memref<1x16x256xf32, #tpu.memory_space<hbm>> -> memref<16x256xf32, #tpu.memory_space<hbm>>
      %dma_start3A_19 = arith.constant 0 : i32
      %dma_start3A_20 = tpu.memref_slice %arg11[%run_scoped3A_11, %mul3A_8, %dma_start3A_19] : memref<2x512x256xf32, #tpu.memory_space<hbm>> -> memref<1x16x256xf32, #tpu.memory_space<hbm>>
      %dma_start3A_21 = tpu.memref_squeeze %dma_start3A_20 : memref<1x16x256xf32, #tpu.memory_space<hbm>> -> memref<16x256xf32, #tpu.memory_space<hbm>>
      %dma_start3A_22 = arith.constant 0 : i32
      %dma_start3A_23 = arith.constant 0 : i32
      %dma_start3A_24 = tpu.memref_slice %arg20[%run_scoped3A_10, %dma_start3A_22, %dma_start3A_23] : memref<2x16x256xf32, #tpu.memory_space<vmem>> -> memref<1x16x256xf32, #tpu.memory_space<vmem>>
      %dma_start3A_25 = tpu.memref_squeeze %dma_start3A_24 : memref<1x16x256xf32, #tpu.memory_space<vmem>> -> memref<16x256xf32, #tpu.memory_space<vmem>>
      tpu.enqueue_dma source(%dma_start3A_25 : memref<16x256xf32, #tpu.memory_space<vmem>>) target(%dma_start3A_21 : memref<16x256xf32, #tpu.memory_space<hbm>>) target_semaphore(%run_scoped3A_12 : memref<!tpu.dma_semaphore, #tpu.memory_space<semaphore_mem>>)
      %dma_wait3A = arith.constant 0 : i32
      %dma_wait3A_26 = arith.constant 0 : i32
      %dma_wait3A_27 = tpu.memref_slice %arg20[%run_scoped3A_10, %dma_wait3A, %dma_wait3A_26] : memref<2x16x256xf32, #tpu.memory_space<vmem>> -> memref<1x16x256xf32, #tpu.memory_space<vmem>>
      %dma_wait3A_28 = tpu.memref_squeeze %dma_wait3A_27 : memref<1x16x256xf32, #tpu.memory_space<vmem>> -> memref<16x256xf32, #tpu.memory_space<vmem>>
      %dma_wait3A_29 = arith.constant 0 : i32
      %dma_wait3A_30 = tpu.memref_slice %arg11[%run_scoped3A_11, %mul3A_8, %dma_wait3A_29] : memref<2x512x256xf32, #tpu.memory_space<hbm>> -> memref<1x16x256xf32, #tpu.memory_space<hbm>>
      %dma_wait3A_31 = tpu.memref_squeeze %dma_wait3A_30 : memref<1x16x256xf32, #tpu.memory_space<hbm>> -> memref<16x256xf32, #tpu.memory_space<hbm>>
      %dma_wait3A_32 = arith.constant 0 : i32
      %dma_wait3A_33 = tpu.memref_slice %arg11[%run_scoped3A_11, %mul3A_8, %dma_wait3A_32] : memref<2x512x256xf32, #tpu.memory_space<hbm>> -> memref<1x16x256xf32, #tpu.memory_space<hbm>>
      %dma_wait3A_34 = tpu.memref_squeeze %dma_wait3A_33 : memref<1x16x256xf32, #tpu.memory_space<hbm>> -> memref<16x256xf32, #tpu.memory_space<hbm>>
      %dma_wait3A_35 = arith.constant 0 : i32
      %dma_wait3A_36 = arith.constant 0 : i32
      %dma_wait3A_37 = tpu.memref_slice %arg20[%run_scoped3A_10, %dma_wait3A_35, %dma_wait3A_36] : memref<2x16x256xf32, #tpu.memory_space<vmem>> -> memref<1x16x256xf32, #tpu.memory_space<vmem>>
      %dma_wait3A_38 = tpu.memref_squeeze %dma_wait3A_37 : memref<1x16x256xf32, #tpu.memory_space<vmem>> -> memref<16x256xf32, #tpu.memory_space<vmem>>
      tpu.wait_dma2 semaphore(%run_scoped3A_12 : memref<!tpu.dma_semaphore, #tpu.memory_space<semaphore_mem>>) src(%dma_wait3A_38 : memref<16x256xf32, #tpu.memory_space<vmem>>) dst(%dma_wait3A_34 : memref<16x256xf32, #tpu.memory_space<hbm>>)
      tpu.yield
    }) : () -> ()
    return
  }
}

module attributes {stable_mosaic.version = 14 : i64} {
  func.func @_tc_epilogue(%arg0: memref<2x512x256xf32, #tpu.memory_space<vmem>>, %arg1: memref<1x256xf32, #tpu.memory_space<vmem>>, %arg2: memref<1x256xf32, #tpu.memory_space<vmem>>, %arg3: memref<1x256xf32, #tpu.memory_space<vmem>>) attributes {dimension_semantics = [], scalar_prefetch = 0 : i64, scratch_operands = 0 : i64, tpu.core_type = #tpu.core_type<tc>} {
    %get3A = arith.constant 0 : index
    %get3A_0 = arith.constant 0 : index
    %get3A_1 = arith.constant 0 : index
    %get3A_2 = vector.load %arg0[%get3A, %get3A_0, %get3A_1] : memref<2x512x256xf32, #tpu.memory_space<vmem>>, vector<1x512x256xf32>
    %get3A_3 = vector.shape_cast %get3A_2 : vector<1x512x256xf32> to vector<512x256xf32>
    %reduce_sum3A = arith.constant dense<0.000000e+00> : vector<256xf32>
    %reduce_sum3A_4 = vector.multi_reduction <add>, %get3A_3, %reduce_sum3A [0] : vector<512x256xf32> to vector<256xf32>
    %broadcast_in_dim3A = vector.shape_cast %reduce_sum3A_4 : vector<256xf32> to vector<1x256xf32>
    %get3A_5 = arith.constant 1 : index
    %get3A_6 = arith.constant 0 : index
    %get3A_7 = arith.constant 0 : index
    %get3A_8 = vector.load %arg0[%get3A_5, %get3A_6, %get3A_7] : memref<2x512x256xf32, #tpu.memory_space<vmem>>, vector<1x512x256xf32>
    %get3A_9 = vector.shape_cast %get3A_8 : vector<1x512x256xf32> to vector<512x256xf32>
    %reduce_sum3A_10 = arith.constant dense<0.000000e+00> : vector<256xf32>
    %reduce_sum3A_11 = vector.multi_reduction <add>, %get3A_9, %reduce_sum3A_10 [0] : vector<512x256xf32> to vector<256xf32>
    %broadcast_in_dim3A_12 = vector.shape_cast %reduce_sum3A_11 : vector<256xf32> to vector<1x256xf32>
    %max3A = arith.constant 1.000000e+01 : f32
    %max3A_13 = vector.broadcast %max3A : f32 to vector<1x256xf32>
    %max3A_14 = arith.maximumf %broadcast_in_dim3A, %max3A_13 : vector<1x256xf32>
    %gt3A = arith.constant 1.000000e+01 : f32
    %gt3A_15 = vector.broadcast %gt3A : f32 to vector<1x256xf32>
    %gt3A_16 = arith.cmpf ogt, %broadcast_in_dim3A, %gt3A_15 : vector<1x256xf32>
    %div3A = arith.constant 1.000000e+01 : f32
    %div3A_17 = vector.broadcast %div3A : f32 to vector<1x256xf32>
    %div3A_18 = arith.divf %max3A_14, %div3A_17 : vector<1x256xf32>
    %log3A = math.log %div3A_18 : vector<1x256xf32>
    %add3A = arith.constant 1.000000e+00 : f32
    %add3A_19 = vector.broadcast %add3A : f32 to vector<1x256xf32>
    %add3A_20 = arith.addf %add3A_19, %log3A : vector<1x256xf32>
    %mul3A = arith.constant 1.000000e+01 : f32
    %mul3A_21 = vector.broadcast %mul3A : f32 to vector<1x256xf32>
    %mul3A_22 = arith.mulf %mul3A_21, %add3A_20 : vector<1x256xf32>
    %select_n3A = arith.select %gt3A_16, %mul3A_22, %broadcast_in_dim3A : vector<1x256xi1>, vector<1x256xf32>
    %swap3A = arith.constant 0 : index
    %swap3A_23 = arith.constant 0 : index
    %swap3A_24 = vector.load %arg1[%swap3A, %swap3A_23] : memref<1x256xf32, #tpu.memory_space<vmem>>, vector<1x256xf32>
    tpu.vector_store %arg1[%swap3A, %swap3A_23], %broadcast_in_dim3A {strides = array<i32>} : memref<1x256xf32, #tpu.memory_space<vmem>>, vector<1x256xf32>,
    %swap3A_25 = arith.constant 0 : index
    %swap3A_26 = arith.constant 0 : index
    %swap3A_27 = vector.load %arg2[%swap3A_25, %swap3A_26] : memref<1x256xf32, #tpu.memory_space<vmem>>, vector<1x256xf32>
    tpu.vector_store %arg2[%swap3A_25, %swap3A_26], %select_n3A {strides = array<i32>} : memref<1x256xf32, #tpu.memory_space<vmem>>, vector<1x256xf32>,
    %swap3A_28 = arith.constant 0 : index
    %swap3A_29 = arith.constant 0 : index
    %swap3A_30 = vector.load %arg3[%swap3A_28, %swap3A_29] : memref<1x256xf32, #tpu.memory_space<vmem>>, vector<1x256xf32>
    tpu.vector_store %arg3[%swap3A_28, %swap3A_29], %broadcast_in_dim3A_12 {strides = array<i32>} : memref<1x256xf32, #tpu.memory_space<vmem>>, vector<1x256xf32>,
    return
  }
}

</mosaic_0001>

<sc_bundles>
// kernel: kernel.4.cloned.1.call-start
scs
__scs_entry_jumppad:
0x0: {  	(pc) =	sbr.rel $0x88, $3  }
0x1: {  	(tag) =	ssettag $0x0;
	lr =	simm.s32 $0x1  }
0x2: {  	[smem:$0x3F9C] =	sst lr;
	_ =	strace $0xD0000000  }
0x3: {  	_ = 	snop  }
0x4: {  	_ = 	snop  }
0x5: {  	_ = 	snop  }
0x6: {  	_ = 	snop  }
0x7: {  	_ = 	snop  }
__scs_overlays_trampoline_lowered:
0x8: {  	[smem:$0x3FAB] =	sst s0  }
0x9: {  	[smem:$0x3FAC] =	sst s1  }
0xa: {  	[smem:$0x3FAD] =	sst s2  }
0xb: {  	[smem:$0x3FAE] =	sst s3  }
0xc: {  	[smem:$0x3FAF] =	sst s4  }
0xd: {  	[smem:$0x3FB0] =	sst s5  }
0xe: {  	[smem:$0x3FB1] =	sst s6  }
0xf: {  	[smem:$0x3FB2] =	sst s7  }
0x10: {  	[smem:$0x3FB3] =	sst s8  }
0x11: {  	[smem:$0x3FB4] =	sst s9;
	s0 =	simm.s32 @!p0 $0x0  }
0x12: {  	s1 =	sld [smem:$0x3F9A];
	s0 =	simm.s32 @p0 $0x1  }
0x13: {  	[smem:$0x3FB5] =	sst s0;
	s0 =	simm.s32 @!p1 $0x0  }
0x14: {  	s2 =	sld [smem:$0x3F99];
	s0 =	simm.s32 @p1 $0x1  }
0x15: {  	[smem:$0x3FB6] =	sst s0;
	s0 =	simm.s32 @!p2 $0x0  }
0x16: {  	s3 =	sld [smem:$0x3FDB];
	s0 =	simm.s32 @p2 $0x1  }
0x17: {  	s4 =	simm.s32 $0x1BF5;
	[smem:$0x3FB8] =	sst s0  }
0x18: {  	s0 =	sld [smem:$0x3F9B];
	_ =	swait.ge [sflag:s4], $0x0  }
0x19: {  	s7 =	sld [smem:$0x3F9C]  }
0x1a: {  	s8 =	sadd.s32 $0xFFFFE003, lr  }
0x1b: {  	s9 =	sadd.s32 $0xFFFFFEF7, lr;
	s5 =	simm.s32 $0xFFFFFFFF;
	p2 =	slt.u32 s8, $0xFFFFF086  }
0x1c: {  	p1 =	slt.u32 s9, $0xF7A;
	s5 =	simm.s32 @!p2 $0x0  }
0x1d: {  	s5 =	simm.s32 @p1 $0x1;
	p0 =	seq.s32 s7, s2  }
0x1e: {  	s7 =	smul.u32 @!p0 $0xF7A, s2;
	p2 =	seq.s32 @!p0 s5, $0x0  }
0x1f: {  	s9 =	smul.u32 $0xF7A, s1;
	s8 =	simm.s32 @!p0 $0x1BF5;
	p2 =	por !p2, p0  }
0x20: {  	[sflag:s8] =	ssyncset.s32 @!p0 $0xFFFFF086;
	s6 =	sadd.s32 @!p0 s3, s7;
	s7 =	simm.s32 @!p0 $0x108  }
0x21: {  	s3 =	sadd.s32 s3, s9;
	s6 =	sadd.s32 @!p0 $0x88, s6;
	s7 =	simm.s32 @p2 $0x1082  }
0x22: {  	[simem:s7], [sflag:s8] =	dma.local @!p0 [hbm:s6], $0xF7A  }
0x23: {  	s9 =	sor.u32 $0xD0000000, s2;
	s6 =	simm.s32 $0x108;
	_ =	swait.ge @!p0 [sflag:s8], $0x0  }
0x24: {  	s3 =	sadd.s32 $0x88, s3;
	s6 =	simm.s32 @!p1 $0x1082;
	[sflag:s4] =	ssyncset.s32 $0xFFFFF086  }
0x25: {  	[simem:s6], [sflag:s4] =	dma.local [hbm:s3], $0xF7A  }
0x26: {  	[smem:$0x3F9C] =	sst s1;
	(tag) =	ssettag s2;
	_ =	strace s9  }
0x27: {  	s1 =	sld [smem:$0x3FAC]  }
0x28: {  	s2 =	sld [smem:$0x3FAD]  }
0x29: {  	s4 =	sld [smem:$0x3FAF]  }
0x2a: {  	p0 =	seq.s32 s5, $0x0;
	s5 =	sld [smem:$0x3FB0]  }
0x2b: {  	s6 =	sld [smem:$0x3FB1]  }
0x2c: {  	s7 =	sld [smem:$0x3FB2]  }
0x2d: {  	s3 =	simm.s32 $0x108;
	s8 =	sld [smem:$0x3FB3]  }
0x2e: {  	s3 =	simm.s32 @!p0 $0x1082;
	s9 =	sld [smem:$0x3FB4]  }
0x2f: {  	lr =	sadd.s32 s0, s3;
	s0 =	sld [smem:$0x3FAB]  }
0x30: {  	s3 =	sld [smem:$0x3FAE]  }
0x31: {  	[smem:$0x3FB7] =	sst s10  }
0x32: {  	s10 =	sld [smem:$0x3FB5];
	_ =	sdelay $0x3  }
0x33: {  	p0 =	seq.s32 s10, $0x1;
	s10 =	sld [smem:$0x3FB7];
	_ =	sdelay $0x3  }
0x34: {  	[smem:$0x3FB7] =	sst s10  }
0x35: {  	s10 =	sld [smem:$0x3FB6];
	_ =	sdelay $0x3  }
0x36: {  	p1 =	seq.s32 s10, $0x1;
	s10 =	sld [smem:$0x3FB7];
	_ =	sdelay $0x3  }
0x37: {  	[smem:$0x3FB7] =	sst s10  }
0x38: {  	s10 =	sld [smem:$0x3FB8]  }
0x39: {  	_ = 	snop;
	(pc) =	sbr.ind lr, $3  }
0x3a: {  	_ = 	snop  }
0x3b: {  	_ = 	snop  }
0x3c: {  	p2 =	seq.s32 s10, $0x1;
	s10 =	sld [smem:$0x3FB7]  }
0x3d: {  	_ =	shalt  }
0x3e: {  	_ =	shalt  }
0x3f: {  	_ =	shalt  }
0x40: {  	_ =	shalt  }
0x41: {  	_ =	shalt  }
0x42: {  	_ =	shalt  }
0x43: {  	_ =	shalt  }
0x44: {  	_ =	shalt  }
0x45: {  	_ =	shalt  }
0x46: {  	_ =	shalt  }
0x47: {  	_ =	shalt  }
0x48: {  	_ =	shalt  }
0x49: {  	_ =	shalt  }
0x4a: {  	_ =	shalt  }
0x4b: {  	_ =	shalt  }
0x4c: {  	_ =	shalt  }
0x4d: {  	_ =	shalt  }
0x4e: {  	_ =	shalt  }
0x4f: {  	_ =	shalt  }
0x50: {  	_ =	shalt  }
0x51: {  	_ =	shalt  }
0x52: {  	_ =	shalt  }
0x53: {  	_ =	shalt  }
0x54: {  	_ =	shalt  }
0x55: {  	_ =	shalt  }
0x56: {  	_ =	shalt  }
0x57: {  	_ =	shalt  }
0x58: {  	_ =	shalt  }
0x59: {  	_ =	shalt  }
0x5a: {  	_ =	shalt  }
0x5b: {  	_ =	shalt  }
0x5c: {  	_ =	shalt  }
0x5d: {  	_ =	shalt  }
0x5e: {  	_ =	shalt  }
0x5f: {  	_ =	shalt  }
0x60: {  	_ =	shalt  }
0x61: {  	_ =	shalt  }
0x62: {  	_ =	shalt  }
0x63: {  	_ =	shalt  }
0x64: {  	_ =	shalt  }
0x65: {  	_ =	shalt  }
0x66: {  	_ =	shalt  }
0x67: {  	_ =	shalt  }
0x68: {  	_ =	shalt  }
0x69: {  	_ =	shalt  }
0x6a: {  	_ =	shalt  }
0x6b: {  	_ =	shalt  }
0x6c: {  	_ =	shalt  }
0x6d: {  	_ =	shalt  }
0x6e: {  	_ =	shalt  }
0x6f: {  	_ =	shalt  }
0x70: {  	_ =	shalt  }
0x71: {  	_ =	shalt  }
0x72: {  	_ =	shalt  }
0x73: {  	_ =	shalt  }
0x74: {  	_ =	shalt  }
0x75: {  	_ =	shalt  }
0x76: {  	_ =	shalt  }
0x77: {  	_ =	shalt  }
0x78: {  	_ =	shalt  }
0x79: {  	_ =	shalt  }
0x7a: {  	_ =	shalt  }
0x7b: {  	_ =	shalt  }
0x7c: {  	_ =	shalt  }
0x7d: {  	_ =	shalt  }
0x7e: {  	_ =	shalt  }
0x7f: {  	_ =	shalt  }
0x80: {  	_ =	shalt  }
0x81: {  	_ =	shalt  }
0x82: {  	_ =	shalt  }
0x83: {  	_ =	shalt  }
0x84: {  	_ =	shalt  }
0x85: {  	_ =	shalt  }
0x86: {  	_ =	shalt  }
0x87: {  	_ =	shalt  }
.Lfunc_end0:
.L_simem_size_0:
called_computation_lowered:
.L_overlay_start_0:
0x88: {  	s2 =	sld [smem:$0x3FD9]  }
0x89: {  	s3 =	sld [smem:$0x3FFE];
	_ =	sdelay $0x1  }
0x8a: {  	s1 =	srdreg.scid  }
0x8b: {  	s0 =	sand.u32 $0x1, s1  }
0x8c: {  	s14 =	sshll.u32 s0, $0xA;
	s2 =	sadd.s32 s3, s2  }
0x8d: {  	s2 =	sadd.s32 s2, s14  }
0x8e: {  	[smem:$0x3FC3] =	sst s2  }
0x8f: {  	_ = 	snop  }
0x90: {  	s2 =	sld [smem:$0x3FD0];
	_ =	sdelay $0x2  }
0x91: {  	s15 =	simm.s32 $0xA;
	s4 =	simm.s32 $0x10  }
0x92: {  	[smem:s4], [sflag:s15] =	dma.local [hbm:s2], $0x1  }
0x93: {  	_ =	swait.eq [sflag:s15], $0x1  }
0x94: {  	[sflag:s15] =	ssyncset.done $0x0  }
0x95: {  	[sflag:s15] =	ssyncadd.s32 $0xFFFFFFFF  }
0x96: {  	s16 =	sld [smem:$0x12];
	(tm) =	ssettm $0x1  }
0x97: {  	s17 =	sld [smem:$0x3FFB];
	_ =	sdelay $0x3  }
0x98: {  	_ =	strace s17  }
0x99: {  	s3 =	sld [smem:$0x3FFC];
	_ =	sdelay $0x3  }
0x9a: {  	_ =	strace s3  }
0x9b: {  	s3 =	sld [smem:$0x3FFD];
	_ =	sdelay $0x3  }
0x9c: {  	_ =	strace s3  }
0x9d: {  	_ =	strace $0x8FFFFFFF  }
0x9e: {  	s18 =	sld [smem:$0x3FDB];
	_ =	sdelay $0x1  }
0x9f: {  	s19 =	simm.s32 $_scs_section_size  }
0xa0: {  	s5 =	simm.s32 $_size__tile_overlayer_lowered;
	s6 =	simm.s32 $_tile_overlayer_lowered  }
0xa1: {  	s22 =	simm.s32 $0x1BFF;
	s21 =	sshll.u32 s6, $0x1;
	s3 =	sadd.s32 s19, s18  }
0xa2: {  	s7 =	simm.s32 $0x0;
	s20 =	sshll.u32 s5, $0x1;
	s5 =	sadd.s32 s21, s3  }
0xa3: {  	[timem:s7], [sflag:s22] =	dma.local [hbm:s5], s20  }
0xa4: {  	_ =	swait.ge [sflag:s22], s20  }
0xa5: {  	s4 =	ssub.s32 $0x0, s20;
	[sflag:s22] =	ssyncset.done $0x0  }
0xa6: {  	[sflag:s22] =	ssyncadd.s32 s4;
	_ =	sdelay $0x1  }
0xa7: {  	s23 =	simm.s32 $0x1B8B  }
0xa8: {  	_ =	swait.ge [sflag:s23], $0x1  }
0xa9: {  	[sflag:s23] =	ssyncset.done $0x0  }
0xaa: {  	s25 =	simm.s32 $0x1B8E;
	s24 =	sld [smem:$0x3FFE];
	[sflag:s23] =	ssyncadd.s32 $0xFFFFFFFF  }
0xab: {  	s26 =	simm.s32 $execute0_lowered;
	[smem:$0x3FD2] =	sst s25  }
0xac: {  	s5 =	sshll.u32 s26, $0x1;
	_ =	strace $0x80000046;
	[dreg:$0x1] =	wrdreg $0xFFFFFFFF  }
0xad: {  	s28 =	simm.s32 $_size_execute0_lowered;
	s3 =	sadd.s32 s3, s5;
	[dreg:$0x0] =	wrdreg $0x0  }
0xae: {  	s5 =	sshll.u32 s28, $0x1;
	[dreg:$0x2] =	wrdreg s3  }
0xaf: {  	[dreg:$0x3] =	wrdreg s5  }
0xb0: {  	[dreg:$0x4] =	wrdreg $0xC0  }
0xb1: {  	_ =	task [dreg:s7], $0x5FFFF  }
0xb2: {  	[dreg:$0x1] =	wrdreg $0xFFFFFFFF  }
0xb3: {  	[dreg:$0x0] =	wrdreg $0x60  }
0xb4: {  	[dreg:$0x2] =	wrdreg s24  }
0xb5: {  	[dreg:$0x3] =	wrdreg s16  }
0xb6: {  	[dreg:$0x4] =	wrdreg $0x9  }
0xb7: {  	_ =	task.clear_ibuf [dreg:s7], $0x5FFFF;
	_ =	strace $0x90000046  }
0xb8: {  	s29 =	simm.s32 $0x9;
	_ =	strace $0x80000048  }
0xb9: {  	_ =	swait.ge [sflag:s29], $0x1  }
0xba: {  	[sflag:s29] =	ssyncadd.s32 $0xFFFFFFFF  }
0xbb: {  	_ =	strace $0x90000048  }
0xbc: {  	_ =	sfence  }
0xbd: {  	s30 =	sld [smem:$0x0];
	_ =	sdelay $0x2  }
0xbe: {  	s31 =	sshll.u32 s1, $0xD;
	s1 =	sshrl.u32 s1, $0x2  }
0xbf: {  	s3 =	sand.u32 $0x4000, s31;
	s1 =	sadd.s32 s1, s30  }
0xc0: {  	s0 =	sor.u32 s3, s0;
	s1 =	sshll.u32 s1, $0x11  }
0xc1: {  	s0 =	sor.u32 s1, s0  }
0xc2: {  	s0 =	sadd.s32 $0x8F2B, s0  }
0xc3: {  	[sflag:s0] =	ssyncadd.remote.s32 $0x1  }
0xc4: {  	_ =	sfence.sel $0xFFFF  }
0xc5: {  	[dreg:$0x0] =	wrdreg $0xFFFFFFFF;
	(pc) =	sbr.abs _section_cstart, $3  }
0xc6: {  	[dreg:$0x1] =	wrdreg $0xFFFFFFFF  }
0xc7: {  	_ =	task.clear_ibuf [dreg:s7], $0x2FFFF;
	_ =	strace $0x9FFFFFFF  }
0xc8: {  	(tm) =	ssettm $0x7FFFFFFF  }
0xc9: {  	_ =	shalt  }
tec
execute0_lowered:
.L_overlay_start_1:
0x0: {  	(tag) =	ssettag $0x1  }
0x1: {  	v0 =	vimm.s32 $0xB80;
	vm0 =	vcmask $0x300;
	v1 =	vimm.s32 $0x1B80  }
0x2: {  	vm1 =	vcmask $0x704;
	v0 =	vsel vm0, $0x0, v0;
	v1 =	vsel vm0, $0x1000, v1  }
0x3: {  	s0 =	rddreg [dreg:$0x0];
	vm15 =	vcmask $0xB08;
	v0 =	vsel vm1, $0x80, v0;
	v1 =	vsel vm1, $0x1080, v1  }
0x4: {  	s2 =	srdreg.scid;
	s1 =	stileid.u32;
	vm4 =	vcmask $0xF0C;
	v0 =	vsel vm15, $0x100, v0;
	v1 =	vsel vm15, $0x1100, v1  }
0x5: {  	s3 =	rddreg [dreg:$0x1];
	s4 =	simm.s32 $0x0;
	vm5 =	vcmask $0x1310;
	s16 =	simm.s32 $0x2780;
	v0 =	vsel vm4, $0x180, v0;
	v1 =	vsel vm4, $0x1180, v1  }
0x6: {  	vm6 =	vcmask $0x1714;
	s17 =	simm.s32 $0x4F00;
	s18 =	simm.s32 $0x11380;
	s19 =	simm.s32 $0x13B00;
	v0 =	vsel vm5, $0x200, v0;
	v1 =	vsel vm5, $0x1200, v1  }
0x7: {  	vm7 =	vcmask $0x1B18;
	s20 =	simm.s32 $0x16280;
	s21 =	simm.s32 $0x16300;
	s22 =	simm.s32 $0x7680;
	v0 =	vsel vm6, $0x280, v0;
	v1 =	vsel vm6, $0x1280, v1  }
0x8: {  	vm8 =	vcmask $0x1F1C;
	s23 =	simm.s32 $0xC500;
	s24 =	simm.s32 $0x17300;
	s25 =	simm.s32 $0x0;
	v0 =	vsel vm7, $0x300, v0;
	v1 =	vsel vm7, $0x1300, v1  }
0x9: {  	vm9 =	vcmask $0x2320;
	s9 =	sand.u32 $0x1, s2;
	s5 =	sshll.u32 s1, $0x1;
	s2 =	rddreg [dreg:$0x2];
	v0 =	vsel vm8, $0x380, v0;
	v1 =	vsel vm8, $0x1380, v1  }
0xa: {  	vm10 =	vcmask $0x2724;
	[smem:$0x7FF] =	sst s4;
	s6 =	sadd.s32 $0x600, s0;
	s8 =	sadd.s32 $0x28C00, s0;
	v0 =	vsel vm9, $0x800, v0;
	v1 =	vsel vm9, $0x1800, v1  }
0xb: {  	vm11 =	vcmask $0x2B28;
	s10 =	sor.u32 s9, s5;
	_ =	strace $0x80000047;
	s5 =	sadd.s32 $0xC00, s0;
	v0 =	vsel vm10, $0x880, v0;
	v1 =	vsel vm10, $0x1880, v1  }
0xc: {  	vm12 =	vcmask $0x2F2C;
	s12 =	ssub.s32 $0x2, s9;
	s7 =	smul.u32 $0x9C4, s10;
	s10 =	sshll.u32 s10, $0x9;
	v0 =	vsel vm11, $0x900, v0;
	v1 =	vsel vm11, $0x1900, v1  }
0xd: {  	vm13 =	vcmask $0x3330;
	s9 =	sadd.s32 $0x29200, s0;
	s13 =	sshrl.u32 s12, $0x1;
	s14 =	sadd.s32 s10, s0;
	v0 =	vsel vm12, $0x980, v0;
	v1 =	vsel vm12, $0x1980, v1  }
0xe: {  	vm14 =	vcmask $0x3734;
	s15 =	ssub.s32 s12, s13;
	s11 =	sadd.s32 s7, s0;
	s7 =	sadd.s32 $0x28600, s0;
	v0 =	vsel vm13, $0xA00, v0;
	v1 =	vsel vm13, $0x1A00, v1  }
0xf: {  	vm15 =	vcmask $0x3B38;
	s12 =	sadd.s32 $0x29600, s14;
	s13 =	sadd.s32 $0x2D600, s14;
	s14 =	smax.u32 s15, $0x1;
	v0 =	vsel vm14, $0xA80, v0;
	v1 =	vsel vm14, $0x1A80, v1  }
0x10: {  	s15 =	simm.s32 $0x1;
	s10 =	sadd.s32 $0x14C00, s11;
	s11 =	sadd.s32 $0x1200, s11;
	v0 =	vsel vm15, $0xB00, v0;
	v1 =	vsel vm15, $0x1B00, v1  }
.LBB2_1:
0x11: {  	[tilespmem:s4], [sflag:$0x1] =	stream.linear.gather [hbm4b:s5+s4], $0x2780, $0x38;
	[tilespmem:$0x18300] =	vst v63  }
0x12: {  	_ =	swait.ge [sflag:s15], $0x2780  }
0x13: {  	[sflag:s15] =	ssyncset.done $0x0  }
0x14: {  	[sflag:s15] =	ssyncadd.s32 $0xFFFFD880  }
0x15: {  	[tilespmem:s16], [sflag:$0x1] =	stream.linear.gather [hbm4b:s6+s4], $0x2780, $0x38;
	[tilespmem:$0x18300] =	vst v63  }
0x16: {  	_ =	swait.ge [sflag:s15], $0x2780  }
0x17: {  	[sflag:s15] =	ssyncset.done $0x0  }
0x18: {  	[sflag:s15] =	ssyncadd.s32 $0xFFFFD880  }
0x19: {  	[tilespmem:s17], [sflag:$0x1] =	stream.linear.gather [hbm4b:s0+s4], $0x2780, $0x38;
	[tilespmem:$0x18300] =	vst v63  }
0x1a: {  	_ =	swait.ge [sflag:s15], $0x2780  }
0x1b: {  	[sflag:s15] =	ssyncset.done $0x0  }
0x1c: {  	[sflag:s15] =	ssyncadd.s32 $0xFFFFD880  }
0x1d: {  	[tilespmem:s18], [sflag:$0x1] =	stream.linear.gather [hbm4b:s7+s4], $0x2780, $0x38;
	[tilespmem:$0x18300] =	vst v63  }
0x1e: {  	_ =	swait.ge [sflag:s15], $0x2780  }
0x1f: {  	[sflag:s15] =	ssyncset.done $0x0  }
0x20: {  	[sflag:s15] =	ssyncadd.s32 $0xFFFFD880  }
0x21: {  	[tilespmem:s19], [sflag:$0x1] =	stream.linear.gather [hbm4b:s8+s4], $0x2780, $0x38;
	[tilespmem:$0x18300] =	vst v63  }
0x22: {  	_ =	swait.ge [sflag:s15], $0x2780  }
0x23: {  	[sflag:s15] =	ssyncset.done $0x0  }
0x24: {  	[sflag:s15] =	ssyncadd.s32 $0xFFFFD880  }
0x25: {  	[tilespmem:s20], [sflag:$0x1] =	stream.linear.gather [hbm4b:s3+s4], $0x80, $0x38;
	[tilespmem:$0x18300] =	vst v63  }
0x26: {  	_ =	swait.ge [sflag:s15], $0x80  }
0x27: {  	[sflag:s15] =	ssyncset.done $0x0  }
0x28: {  	[sflag:s15] =	ssyncadd.s32 $0xFFFFFF80  }
0x29: {  	[tilespmem:s21], [sflag:$0x1] =	stream.linear.gather [hbm4b:s9+s4], $0x2000, $0x38;
	[tilespmem:$0x18300] =	vst v63  }
0x2a: {  	_ =	swait.ge [sflag:s15], $0x2000  }
0x2b: {  	[sflag:s15] =	ssyncset.done $0x0  }
0x2c: {  	[sflag:s15] =	ssyncadd.s32 $0xFFFFE000  }
0x2d: {  	[tilespmem:s22], [sflag:$0x1] =	stream.linear.gather [hbm4b:s10+s4], $0x4E20, $0x38;
	[tilespmem:$0x18300] =	vst v63  }
0x2e: {  	_ =	swait.ge [sflag:s15], $0x4E20  }
0x2f: {  	[sflag:s15] =	ssyncset.done $0x0  }
0x30: {  	[sflag:s15] =	ssyncadd.s32 $0xFFFFB1E0  }
0x31: {  	[tilespmem:s23], [sflag:$0x1] =	stream.linear.gather [hbm4b:s11+s4], $0x4E20, $0x38;
	[tilespmem:$0x18300] =	vst v63  }
0x32: {  	_ =	swait.ge [sflag:s15], $0x4E20  }
0x33: {  	[sflag:s15] =	ssyncset.done $0x0  }
0x34: {  	s26 =	simm.s32 $0x0;
	[sflag:s15] =	ssyncadd.s32 $0xFFFFB1E0  }
0x35: {  	v3 =	vld [tilespmem:s26+$0x7680];
	_ =	sdelay $0x1  }
0x36: {  	v2 =	vld [tilespmem:s26+$0xC500];
	_ =	sdelay $0x5  }
0x37: {  	v4 =	vld.idx.msk [tilespmem:v3+s4+$0x0], $0xffff  }
0x38: {  	v5 =	vld.idx.msk [tilespmem:v3+s16+$0x0], $0xffff  }
0x39: {  	v6 =	vld.idx.msk [tilespmem:v2+s17+$0x0], $0xffff  }
0x3a: {  	v7 =	vld.idx.msk [tilespmem:v2+s4+$0x0], $0xffff  }
0x3b: {  	v8 =	vld.idx.msk [tilespmem:v2+s16+$0x0], $0xffff  }
0x3c: {  	s26 =	simm.s32 $0x40;
	v9 =	vld.idx.msk [tilespmem:v3+s17+$0x0], $0xffff  }
.LBB2_2:
0x3d: {  	_ = 	snop  }
0x3e: {  	p0 =	sne.s32 s26, $0x13840;
	s28 =	smov.u32 s26;
	s26 =	sadd.s32 $0x40, s26  }
0x3f: {  	v4 =	vsub.f32 v4, v7  }
0x40: {  	v5 =	vsub.f32 v5, v8  }
0x41: {  	v6 =	vsub.f32 v9, v6;
	v4 =	vmul.f32 v4, v4  }
0x42: {  	s28 =	sshra.s32 s28, $0x2;
	v5 =	vmul.f32 v5, v5  }
0x43: {  	v6 =	vmul.f32 v6, v6  }
0x44: {  	v4 =	vadd.f32 v5, v4;
	_ =	sdelay $0x1  }
0x45: {  	v4 =	vadd.f32 v6, v4;
	_ =	sdelay $0x1  }
0x46: {  	v4 =	vadd.f32 $9.999999960e-13, v4;
	_ =	sdelay $0x1  }
0x47: {  	v4 =	vmax.f32 v4, $2.499999940e-03  }
0x48: {  	v5 =	vshra.s32 v4, $0x1;
	v6 =	vmul.f32 $5.000000000e-01, v4  }
0x49: {  	v5 =	vsub.s32 $0x5F3759DF, v5  }
0x4a: {  	v7 =	vmul.f32 v5, v6;
	_ =	sdelay $0x1  }
0x4b: {  	v7 =	vmul.f32 v5, v7;
	_ =	sdelay $0x1  }
0x4c: {  	v7 =	vsub.f32 $1.500000000e+00, v7;
	_ =	sdelay $0x1  }
0x4d: {  	v5 =	vmul.f32 v5, v7;
	v3 =	vld.idx.msk [tilespmem:v3+s18+$0x0], $0xffff  }
0x4e: {  	v7 =	vld.idx.msk [tilespmem:v2+s18+$0x0], $0xffff  }
0x4f: {  	v8 =	vmul.f32 v5, v6;
	_ =	sdelay $0x1  }
0x50: {  	v8 =	vmul.f32 v8, v5;
	_ =	sdelay $0x1  }
0x51: {  	v8 =	vsub.f32 $1.500000000e+00, v8;
	_ =	sdelay $0x1  }
0x52: {  	v5 =	vmul.f32 v8, v5;
	v3 =	vld.idx.msk [tilespmem:v3+s20+$0x0], $0xffff  }
0x53: {  	v7 =	vld.idx.msk [tilespmem:v7+s20+$0x0], $0xffff  }
0x54: {  	v6 =	vmul.f32 v5, v6;
	_ =	sdelay $0x1  }
0x55: {  	v6 =	vmul.f32 v6, v5;
	_ =	sdelay $0x1  }
0x56: {  	v6 =	vsub.f32 $1.500000000e+00, v6  }
0x57: {  	v3 =	vadd.f32 v7, v3;
	v2 =	vld.idx.msk [tilespmem:v2+s19+$0x0], $0xffff  }
0x58: {  	v5 =	vmul.f32 v6, v5  }
0x59: {  	(erf) = vrcp.f32 v3  }
0x5a: {  	v6 =	vmul.f32 v5, v3;
	v4 =	vmul.f32 v5, v4;
	_ =	sdelay $0x1  }
0x5b: {  	v5 =	vmul.f32 v6, v6;
	v3 =	vsub.f32 v3, v4  }
0x5c: {  	v4 =	vand.u32 $0x7F, v2;
	v2 =	vshll.u32 v2, $0x3  }
0x5d: {  	v2 =	vand.u32 $0xFFFFFC00, v2;
	v6 =	vmul.f32 v5, v5;
	v3 =	vmax.f32 v3, $0.0e+00  }
0x5e: {  	v2 =	vor.u32 v4, v2  }
0x5f: {  	v4 =	vmul.f32 v6, v5;
	v5 =	vadd.s32 v0, v2  }
0x60: {  	v2 =	vadd.s32 v1, v2  }
0x61: {  	v6 =	vmul.f32 v4, v4;
	v4 =	vadd.f32 v4, v4;
	v7 =	vpop (erf);
	_ =	sdelay $0x1  }
0x62: {  	v3 =	vmul.f32 v3, v7;
	v4 =	vsub.f32 v6, v4;
	_ =	sdelay $0x1  }
0x63: {  	[tilespmem:v5+s21+$0x0] =	vst.idx.add.f32.msk $0xffff, v4  }
0x64: {  	[tilespmem:v2+s21+$0x0] =	vst.idx.add.f32.msk $0xffff, v3  }
0x65: {  	v3 =	vld [tilespmem:s28+$0x7680]  }
0x66: {  	v2 =	vld [tilespmem:s28+$0xC500];
	_ =	sdelay $0x6  }
0x67: {  	v4 =	vld.idx.msk [tilespmem:v3+s4+$0x0], $0xffff  }
.Ltmp0:
0x68: {  	v5 =	vld.idx.msk [tilespmem:v3+s16+$0x0], $0xffff;
	(pc) =	sbr.rel @p0 .LBB2_2-.Ltmp0, $4  }
0x69: {  	v6 =	vld.idx.msk [tilespmem:v2+s17+$0x0], $0xffff  }
0x6a: {  	v7 =	vld.idx.msk [tilespmem:v2+s4+$0x0], $0xffff  }
0x6b: {  	v8 =	vld.idx.msk [tilespmem:v2+s16+$0x0], $0xffff  }
0x6c: {  	v9 =	vld.idx.msk [tilespmem:v3+s17+$0x0], $0xffff  }
0x6d: {  	_ =	sdelay $0x2  }
0x6e: {  	v4 =	vsub.f32 v4, v7;
	v5 =	vsub.f32 v5, v8;
	_ =	sdelay $0x1  }
0x6f: {  	v6 =	vsub.f32 v9, v6;
	v4 =	vmul.f32 v4, v4;
	v5 =	vmul.f32 v5, v5;
	_ =	sdelay $0x1  }
0x70: {  	v6 =	vmul.f32 v6, v6;
	v4 =	vadd.f32 v5, v4;
	_ =	sdelay $0x1  }
0x71: {  	v4 =	vadd.f32 v6, v4;
	_ =	sdelay $0x1  }
0x72: {  	v4 =	vadd.f32 $9.999999960e-13, v4;
	_ =	sdelay $0x1  }
0x73: {  	v4 =	vmax.f32 v4, $2.499999940e-03  }
0x74: {  	v53 =	vshra.s32 v4, $0x1;
	v54 =	vmul.f32 $5.000000000e-01, v4  }
0x75: {  	v5 =	vsub.s32 $0x5F3759DF, v53  }
0x76: {  	v55 =	vmul.f32 v5, v54;
	_ =	sdelay $0x1  }
0x77: {  	v7 =	vmul.f32 v5, v55;
	_ =	sdelay $0x1  }
0x78: {  	v7 =	vsub.f32 $1.500000000e+00, v7;
	_ =	sdelay $0x1  }
0x79: {  	v5 =	vmul.f32 v5, v7;
	_ =	sdelay $0x1  }
0x7a: {  	v3 =	vld.idx.msk [tilespmem:v3+s18+$0x0], $0xffff;
	v7 =	vmul.f32 v5, v54  }
0x7b: {  	v56 =	vld.idx.msk [tilespmem:v2+s18+$0x0], $0xffff  }
0x7c: {  	v7 =	vmul.f32 v7, v5;
	_ =	sdelay $0x1  }
0x7d: {  	v7 =	vsub.f32 $1.500000000e+00, v7;
	_ =	sdelay $0x1  }
0x7e: {  	v5 =	vmul.f32 v7, v5;
	_ =	sdelay $0x1  }
0x7f: {  	v3 =	vld.idx.msk [tilespmem:v3+s20+$0x0], $0xffff;
	v6 =	vmul.f32 v5, v54  }
0x80: {  	v57 =	vld.idx.msk [tilespmem:v56+s20+$0x0], $0xffff  }
0x81: {  	v6 =	vmul.f32 v6, v5;
	_ =	sdelay $0x1  }
0x82: {  	v6 =	vsub.f32 $1.500000000e+00, v6;
	_ =	sdelay $0x1  }
0x83: {  	v3 =	vadd.f32 v57, v3;
	v5 =	vmul.f32 v6, v5  }
0x84: {  	v2 =	vld.idx.msk [tilespmem:v2+s19+$0x0], $0xffff  }
0x85: {  	v6 =	vmul.f32 v5, v3  }
0x86: {  	(erf) = vrcp.f32 v3  }
0x87: {  	v6 =	vmul.f32 v6, v6;
	_ =	sdelay $0x1  }
0x88: {  	v58 =	vshll.u32 v2, $0x3;
	v59 =	vmul.f32 v6, v6  }
0x89: {  	v2 =	vand.u32 $0x7F, v2;
	v60 =	vand.u32 $0xFFFFFC00, v58  }
0x8a: {  	v2 =	vor.u32 v2, v60;
	v4 =	vmul.f32 v5, v4;
	v61 =	vmul.f32 v59, v6  }
0x8b: {  	v62 =	vadd.s32 v0, v2;
	v2 =	vadd.s32 v1, v2  }
0x8c: {  	v3 =	vsub.f32 v3, v4;
	v6 =	vmul.f32 v61, v61;
	v5 =	vadd.f32 v61, v61;
	_ =	sdelay $0x1  }
0x8d: {  	v63 =	vpop (erf);
	v3 =	vmax.f32 v3, $0.0e+00;
	v5 =	vsub.f32 v6, v5  }
0x8e: {  	v3 =	vmul.f32 v3, v63  }
0x8f: {  	[tilespmem:v62+s21+$0x0] =	vst.idx.add.f32.msk $0xffff, v5  }
0x90: {  	[tilespmem:v2+s21+$0x0] =	vst.idx.add.f32.msk $0xffff, v3  }
0x91: {  	[hbm4b:s12+s4] =	stream.linear.scatter [tilespmem:s21], [sflag:$0x1], $0x1000, $0x38;
	[tilespmem:$0x18300] =	vst v63  }
0x92: {  	s25 =	sadd.s32 $0x1, s25;
	_ =	swait.ge [sflag:s15], $0x1000  }
0x93: {  	p0 =	sne.s32 s25, s14;
	[sflag:s15] =	ssyncset.done $0x0  }
.Ltmp1:
0x94: {  	[sflag:s15] =	ssyncadd.s32 $0xFFFFF000;
	(pc) =	sbr.rel @p0 .LBB2_1-.Ltmp1, $4  }
0x95: {  	[hbm4b:s13+s4] =	stream.linear.scatter [tilespmem:s24], [sflag:$0x1], $0x1000, $0x38;
	[tilespmem:$0x18300] =	vst v63  }
0x96: {  	_ =	swait.ge [sflag:s15], $0x1000  }
0x97: {  	[sflag:s15] =	ssyncset.done $0x0  }
0x98: {  	[sflag:s15] =	ssyncadd.s32 $0xFFFFF000  }
0x99: {  	_ =	sfence.sel $0x180000  }
0x9a: {  	[bflag:$0x0] =	sbarrier.arrive $0xFFFF  }
0x9b: {  	p0 =	sne.s32 s1, $0x0;
	_ =	strace $0x90000047  }
0x9c: {  	s0 =	sadd.s32 @!p0 $0x100000, s2;
	[bflag:$0x2] =	sbarrier.arrive $0xFFFF  }
0x9d: {  	[sflag:s0] =	ssyncadd.tile.s32 @!p0 $0x1;
	_ =	shalt  }
.Lfunc_end2:
_tile_overlayer_lowered:
.L_overlay_start_2:
0x9e: {  	(tag) =	ssettag $0x2  }
0x9f: {  	s0 =	rddreg [dreg:$0x0];
	s2 =	stileid.u32  }
0xa0: {  	s1 =	rddreg [dreg:$0x1];
	p0 =	sne.s32 s2, $0x0  }
0xa1: {  	s3 =	rddreg [dreg:$0x2];
	[bflag:$0x3] =	sbarrier.arrive $0xFFFF;
	s2 =	simm.s32 @!p0 $0x1C01  }
0xa2: {  	[timem:s3], [sflag:s2] =	dma.local @!p0 [hbm:s0], s1  }
0xa3: {  	s0 =	simm.s32 @!p0 $0x1  }
0xa4: {  	_ =	swait.ge @!p0 [sflag:s0], s1  }
0xa5: {  	s1 =	ssub.s32 @!p0 $0x0, s1;
	[sflag:s0] =	ssyncset.done @!p0 $0x0  }
0xa6: {  	[sflag:s0] =	ssyncadd.s32 @!p0 s1  }
0xa7: {  	[bflag:$0x3] =	sbarrier.arrive $0xFFFF  }
0xa8: {  	_ =	shalt  }

</sc_bundles>
